<compile_context>
chip_gen: v7x
topology: tpu7x:2x2x1
jax: 0.10.2.dev20260603
libtpu: 0.0.44.dev20260713+nightly
codegen_flags: <defaults>
</compile_context>

<pallas_src>
import functools

import jax
import jax.numpy as jnp
from jax import lax
from jax.experimental import pallas as pl
from jax.experimental.pallas import tpu as pltpu
from jax.experimental.pallas import tpu_sc as plsc

_NC = 2
_NS = 16
_NW = _NC * _NS

_NBUF = 2

_MESH = plsc.VectorSubcoreMesh(core_axis_name="c", subcore_axis_name="s")


def _gather_rows(B: int, S: int, D: int, wlin, flat_idx):
    total = B * S
    b_per_w = total // _NW
    nb_w = B // _NW

    @functools.partial(
        pl.kernel,
        out_type=jax.ShapeDtypeStruct((B, S, D), jnp.float32),
        mesh=_MESH,
        scratch_types=[
            pltpu.VMEM((b_per_w,), jnp.int32),
            [pltpu.VMEM((S, 128), jnp.float32) for _ in range(_NBUF)],
            [pltpu.VMEM((1, S, D), jnp.float32) for _ in range(_NBUF)],
            [pltpu.SemaphoreType.DMA for _ in range(_NBUF)],
            [pltpu.SemaphoreType.DMA for _ in range(_NBUF)],
        ],
    )
    def k2(wlin_hbm, idx_hbm, out_hbm, idx_v, rows, cbuf, sg, sw):
        wid = lax.axis_index("s") * _NC + lax.axis_index("c")
        base = wid * b_per_w
        bbase = wid * nb_w
        pltpu.sync_copy(idx_hbm.at[pl.ds(base, b_per_w)], idx_v)

        def fire_gathers(g, b):
            off = g * S
            cps = []
            done = 0
            while done < S:
                n = min(128, S - done)
                cps.append(pltpu.async_copy(
                    wlin_hbm.at[idx_v.at[pl.ds(off + done, n)]],
                    rows[b].at[pl.ds(done, n)],
                    sg[b],
                ))
                done += n
            return cps

        def repack(b):
            def row(r, carry):
                for kk in range(D // 16):
                    sl = pl.ds(kk * 16, 16)
                    cbuf[b][0, r, sl] = rows[b][r, sl]
                return carry
            lax.fori_loop(0, S, row, 0)

        def wait_write(b):
            pltpu.make_async_copy(
                cbuf[b], out_hbm.at[pl.ds(bbase, 1)], sw[b]
            ).wait()

        def body(t, carry):
            @pl.when(t > 0)
            def _():
                for b in range(_NBUF):
                    wait_write(b)

            copies = []
            for b in range(_NBUF):
                copies.append(fire_gathers(t * _NBUF + b, b))
            for b in range(_NBUF):
                g = t * _NBUF + b
                for c in copies[b]:
                    c.wait()
                repack(b)
                pltpu.async_copy(
                    cbuf[b], out_hbm.at[pl.ds(bbase + g, 1)], sw[b]
                )
            return carry

        lax.fori_loop(0, nb_w // _NBUF, body, 0)
        for b in range(_NBUF):
            wait_write(b)

    return k2(wlin, flat_idx)


def kernel(x, weight):
    B, S = x.shape
    V, D = weight.shape
    wlin = jnp.pad(weight, ((0, 0), (0, 128 - D)))
    flat_idx = x.reshape(B * S).astype(jnp.int32)
    return _gather_rows(B, S, D, wlin, flat_idx)

# --- scband reference (transcript-rebuilt; emitter-appended) ---
"""Pipeline reference for scband-embedding-22926535426517 (READ-ONLY COPY).

The authoritative reference and input builder live on the scoring server;
editing this copy changes nothing except your own understanding.
"""

import jax, jax.numpy as jnp
import numpy as np

VOCAB = 1000000
EMB = 64
BATCH = 4096
SEQ = 200
PADDING_IDX = 0


def setup_inputs(seed: int = 0) -> dict:
    key = jax.random.key(seed)
    k1, k2 = jax.random.split(key)
    x = jax.random.randint(k1, (BATCH, SEQ), 0, VOCAB)
    # embedding table initialized uniform(-0.05, 0.05) with padding row zeroed,
    # matching Embedding.embedding_init with stay_zero=[] and padding_idx=0
    weight = jax.random.uniform(k2, (VOCAB, EMB), minval=-0.05, maxval=0.05, dtype=jnp.float32)
    weight = weight.at[PADDING_IDX].set(0.0)
    return {"x": x, "weight": weight}


def reference(x, weight):
    # F.embedding(words, weight, padding_idx=0) -> pure gather; padding row is
    # already zero in the table so the output for padded positions is zero.
    embeddings = jnp.take(weight, x, axis=0)
    return embeddings

if __name__ == "__main__":
    import jax
    _d = setup_inputs()
    print(jax.jit(kernel)(*tuple(_d.values())))

</pallas_src>

<mosaic_0001>
#map = affine_map<(d0, d1) -> (0, 0)>
#map1 = affine_map<(d0, d1) -> (0)>
#map2 = affine_map<(d0, d1) -> (0, 0, 0)>
module attributes {stable_mosaic.version = 14 : i64} {
  func.func @k2(%arg0: i32, %arg1: i32, %arg2: memref<1000000x128xf32, #tpu.memory_space<hbm>>, %arg3: memref<819200xi32, #tpu.memory_space<hbm>>, %arg4: memref<4096x200x64xf32, #tpu.memory_space<hbm>>, %arg5: memref<25600xi32, #tpu.memory_space<vmem>>, %arg6: memref<200x128xf32, #tpu.memory_space<vmem>>, %arg7: memref<200x128xf32, #tpu.memory_space<vmem>>, %arg8: memref<1x200x64xf32, #tpu.memory_space<vmem>>, %arg9: memref<1x200x64xf32, #tpu.memory_space<vmem>>, %arg10: memref<!tpu.dma_semaphore, #tpu.memory_space<semaphore_mem>>, %arg11: memref<!tpu.dma_semaphore, #tpu.memory_space<semaphore_mem>>, %arg12: memref<!tpu.dma_semaphore, #tpu.memory_space<semaphore_mem>>, %arg13: memref<!tpu.dma_semaphore, #tpu.memory_space<semaphore_mem>>) attributes {dimension_semantics = [#tpu.dimension_semantics<core_parallel>, #tpu.dimension_semantics<subcore_parallel>], iteration_bounds = array<i64: 2, 16>, scalar_prefetch = 0 : i64, scratch_operands = 9 : i64, tpu.core_type = #tpu.core_type<sc_vector_subcore>, window_params = [{transform_indices = #map}, {transform_indices = #map1}, {transform_indices = #map2}]} {
    %mul3A = arith.constant 2 : i32
    %mul3A_0 = arith.muli %arg1, %mul3A : i32
    %add3A = arith.addi %mul3A_0, %arg0 : i32
    %mul3A_1 = arith.constant 25600 : i32
    %mul3A_2 = arith.muli %add3A, %mul3A_1 : i32
    %mul3A_3 = arith.constant 128 : i32
    %mul3A_4 = arith.muli %add3A, %mul3A_3 : i32
    "tpu.region"() ({
      %run_scoped3A = tpu.sem_alloc : memref<!tpu.dma_semaphore, #tpu.memory_space<semaphore_mem>>
      %dma_start3A = tpu.memref_slice %arg3[%mul3A_2] : memref<819200xi32, #tpu.memory_space<hbm>> -> memref<25600xi32, #tpu.memory_space<hbm>>
      %dma_start3A_21 = tpu.memref_slice %arg3[%mul3A_2] : memref<819200xi32, #tpu.memory_space<hbm>> -> memref<25600xi32, #tpu.memory_space<hbm>>
      tpu.enqueue_dma source(%dma_start3A_21 : memref<25600xi32, #tpu.memory_space<hbm>>) target(%arg5 : memref<25600xi32, #tpu.memory_space<vmem>>) target_semaphore(%run_scoped3A : memref<!tpu.dma_semaphore, #tpu.memory_space<semaphore_mem>>)
      %dma_wait3A_22 = tpu.memref_slice %arg3[%mul3A_2] : memref<819200xi32, #tpu.memory_space<hbm>> -> memref<25600xi32, #tpu.memory_space<hbm>>
      %dma_wait3A_23 = tpu.memref_slice %arg3[%mul3A_2] : memref<819200xi32, #tpu.memory_space<hbm>> -> memref<25600xi32, #tpu.memory_space<hbm>>
      tpu.wait_dma2 semaphore(%run_scoped3A : memref<!tpu.dma_semaphore, #tpu.memory_space<semaphore_mem>>) src(%dma_wait3A_23 : memref<25600xi32, #tpu.memory_space<hbm>>) dst(%arg5 : memref<25600xi32, #tpu.memory_space<vmem>>)
      tpu.yield
    }) : () -> ()
    %scan3A = arith.constant 0 : i32
    %scan3A_5 = arith.constant 0 : i32
    %scan3A_6 = arith.constant 64 : i32
    %scan3A_7 = arith.addi %scan3A_5, %scan3A_6 : i32
    %scan3A_8 = arith.constant 1 : i32
    scf.for %scan3A_21 = %scan3A_5 to %scan3A_7 step %scan3A_8  : i32 {
      %gt3A = arith.constant 0 : i32
      %gt3A_22 = arith.cmpi sgt, %scan3A_21, %gt3A : i32
      %convert_element_type3A = arith.extui %gt3A_22 : i1 to i32
      %cond3A = arith.constant 0 : i32
      %cond3A_23 = arith.cmpi ne, %convert_element_type3A, %cond3A : i32
      scf.if %cond3A_23 {
        %dma_wait3A_133 = arith.constant 0 : i32
        %dma_wait3A_134 = arith.constant 0 : i32
        %dma_wait3A_135 = tpu.memref_slice %arg4[%mul3A_4, %dma_wait3A_133, %dma_wait3A_134] : memref<4096x200x64xf32, #tpu.memory_space<hbm>> -> memref<1x200x64xf32, #tpu.memory_space<hbm>>
        %dma_wait3A_136 = arith.constant 0 : i32
        %dma_wait3A_137 = arith.constant 0 : i32
        %dma_wait3A_138 = tpu.memref_slice %arg4[%mul3A_4, %dma_wait3A_136, %dma_wait3A_137] : memref<4096x200x64xf32, #tpu.memory_space<hbm>> -> memref<1x200x64xf32, #tpu.memory_space<hbm>>
        tpu.wait_dma2 semaphore(%arg12 : memref<!tpu.dma_semaphore, #tpu.memory_space<semaphore_mem>>) src(%arg8 : memref<1x200x64xf32, #tpu.memory_space<vmem>>) dst(%dma_wait3A_138 : memref<1x200x64xf32, #tpu.memory_space<hbm>>)
        %dma_wait3A_139 = arith.constant 0 : i32
        %dma_wait3A_140 = arith.constant 0 : i32
        %dma_wait3A_141 = tpu.memref_slice %arg4[%mul3A_4, %dma_wait3A_139, %dma_wait3A_140] : memref<4096x200x64xf32, #tpu.memory_space<hbm>> -> memref<1x200x64xf32, #tpu.memory_space<hbm>>
        %dma_wait3A_142 = arith.constant 0 : i32
        %dma_wait3A_143 = arith.constant 0 : i32
        %dma_wait3A_144 = tpu.memref_slice %arg4[%mul3A_4, %dma_wait3A_142, %dma_wait3A_143] : memref<4096x200x64xf32, #tpu.memory_space<hbm>> -> memref<1x200x64xf32, #tpu.memory_space<hbm>>
        tpu.wait_dma2 semaphore(%arg13 : memref<!tpu.dma_semaphore, #tpu.memory_space<semaphore_mem>>) src(%arg9 : memref<1x200x64xf32, #tpu.memory_space<vmem>>) dst(%dma_wait3A_144 : memref<1x200x64xf32, #tpu.memory_space<hbm>>)
      } else {
      }
      %mul3A_24 = arith.constant 2 : i32
      %mul3A_25 = arith.muli %scan3A_21, %mul3A_24 : i32
      %add3A_26 = arith.constant 0 : i32
      %add3A_27 = arith.addi %mul3A_25, %add3A_26 : i32
      %mul3A_28 = arith.constant 200 : i32
      %mul3A_29 = arith.muli %add3A_27, %mul3A_28 : i32
      %add3A_30 = arith.constant 0 : i32
      %add3A_31 = arith.addi %mul3A_29, %add3A_30 : i32
      %dma_start3A = arith.constant 0 : i32
      %dma_start3A_32 = arith.constant 0 : i32
      %dma_start3A_33 = tpu.memref_slice %arg6[%dma_start3A, %dma_start3A_32] : memref<200x128xf32, #tpu.memory_space<vmem>> -> memref<128x128xf32, #tpu.memory_space<vmem>>
      %dma_start3A_34 = tpu.memref_slice %arg5[%add3A_31] : memref<25600xi32, #tpu.memory_space<vmem>> -> memref<128xi32, #tpu.memory_space<vmem>>
      %dma_start3A_35 = arith.constant 0 : i32
      %dma_start3A_36 = arith.constant 0 : i32
      %dma_start3A_37 = tpu.memref_slice %arg2[%dma_start3A_35, %dma_start3A_36] : memref<1000000x128xf32, #tpu.memory_space<hbm>> -> memref<1000000x128xf32, #tpu.memory_space<hbm>>
      tpu.enqueue_indirect_dma source(%dma_start3A_37 : memref<1000000x128xf32, #tpu.memory_space<hbm>>) target(%dma_start3A_33 : memref<128x128xf32, #tpu.memory_space<vmem>>) offsets(%dma_start3A_34 : memref<128xi32, #tpu.memory_space<vmem>>) semaphore(%arg10 : memref<!tpu.dma_semaphore, #tpu.memory_space<semaphore_mem>>)
      %add3A_38 = arith.constant 128 : i32
      %add3A_39 = arith.addi %mul3A_29, %add3A_38 : i32
      %dma_start3A_40 = arith.constant 128 : i32
      %dma_start3A_41 = arith.constant 0 : i32
      %dma_start3A_42 = tpu.memref_slice %arg6[%dma_start3A_40, %dma_start3A_41] : memref<200x128xf32, #tpu.memory_space<vmem>> -> memref<72x128xf32, #tpu.memory_space<vmem>>
      %dma_start3A_43 = tpu.memref_slice %arg5[%add3A_39] : memref<25600xi32, #tpu.memory_space<vmem>> -> memref<72xi32, #tpu.memory_space<vmem>>
      %dma_start3A_44 = arith.constant 0 : i32
      %dma_start3A_45 = arith.constant 0 : i32
      %dma_start3A_46 = tpu.memref_slice %arg2[%dma_start3A_44, %dma_start3A_45] : memref<1000000x128xf32, #tpu.memory_space<hbm>> -> memref<1000000x128xf32, #tpu.memory_space<hbm>>
      tpu.enqueue_indirect_dma source(%dma_start3A_46 : memref<1000000x128xf32, #tpu.memory_space<hbm>>) target(%dma_start3A_42 : memref<72x128xf32, #tpu.memory_space<vmem>>) offsets(%dma_start3A_43 : memref<72xi32, #tpu.memory_space<vmem>>) semaphore(%arg10 : memref<!tpu.dma_semaphore, #tpu.memory_space<semaphore_mem>>)
      %mul3A_47 = arith.constant 2 : i32
      %mul3A_48 = arith.muli %scan3A_21, %mul3A_47 : i32
      %add3A_49 = arith.constant 1 : i32
      %add3A_50 = arith.addi %mul3A_48, %add3A_49 : i32
      %mul3A_51 = arith.constant 200 : i32
      %mul3A_52 = arith.muli %add3A_50, %mul3A_51 : i32
      %add3A_53 = arith.constant 0 : i32
      %add3A_54 = arith.addi %mul3A_52, %add3A_53 : i32
      %dma_start3A_55 = arith.constant 0 : i32
      %dma_start3A_56 = arith.constant 0 : i32
      %dma_start3A_57 = tpu.memref_slice %arg7[%dma_start3A_55, %dma_start3A_56] : memref<200x128xf32, #tpu.memory_space<vmem>> -> memref<128x128xf32, #tpu.memory_space<vmem>>
      %dma_start3A_58 = tpu.memref_slice %arg5[%add3A_54] : memref<25600xi32, #tpu.memory_space<vmem>> -> memref<128xi32, #tpu.memory_space<vmem>>
      %dma_start3A_59 = arith.constant 0 : i32
      %dma_start3A_60 = arith.constant 0 : i32
      %dma_start3A_61 = tpu.memref_slice %arg2[%dma_start3A_59, %dma_start3A_60] : memref<1000000x128xf32, #tpu.memory_space<hbm>> -> memref<1000000x128xf32, #tpu.memory_space<hbm>>
      tpu.enqueue_indirect_dma source(%dma_start3A_61 : memref<1000000x128xf32, #tpu.memory_space<hbm>>) target(%dma_start3A_57 : memref<128x128xf32, #tpu.memory_space<vmem>>) offsets(%dma_start3A_58 : memref<128xi32, #tpu.memory_space<vmem>>) semaphore(%arg11 : memref<!tpu.dma_semaphore, #tpu.memory_space<semaphore_mem>>)
      %add3A_62 = arith.constant 128 : i32
      %add3A_63 = arith.addi %mul3A_52, %add3A_62 : i32
      %dma_start3A_64 = arith.constant 128 : i32
      %dma_start3A_65 = arith.constant 0 : i32
      %dma_start3A_66 = tpu.memref_slice %arg7[%dma_start3A_64, %dma_start3A_65] : memref<200x128xf32, #tpu.memory_space<vmem>> -> memref<72x128xf32, #tpu.memory_space<vmem>>
      %dma_start3A_67 = tpu.memref_slice %arg5[%add3A_63] : memref<25600xi32, #tpu.memory_space<vmem>> -> memref<72xi32, #tpu.memory_space<vmem>>
      %dma_start3A_68 = arith.constant 0 : i32
      %dma_start3A_69 = arith.constant 0 : i32
      %dma_start3A_70 = tpu.memref_slice %arg2[%dma_start3A_68, %dma_start3A_69] : memref<1000000x128xf32, #tpu.memory_space<hbm>> -> memref<1000000x128xf32, #tpu.memory_space<hbm>>
      tpu.enqueue_indirect_dma source(%dma_start3A_70 : memref<1000000x128xf32, #tpu.memory_space<hbm>>) target(%dma_start3A_66 : memref<72x128xf32, #tpu.memory_space<vmem>>) offsets(%dma_start3A_67 : memref<72xi32, #tpu.memory_space<vmem>>) semaphore(%arg11 : memref<!tpu.dma_semaphore, #tpu.memory_space<semaphore_mem>>)
      %mul3A_71 = arith.constant 2 : i32
      %mul3A_72 = arith.muli %scan3A_21, %mul3A_71 : i32
      %add3A_73 = arith.constant 0 : i32
      %add3A_74 = arith.addi %mul3A_72, %add3A_73 : i32
      %dma_wait3A_75 = arith.constant 0 : i32
      %dma_wait3A_76 = arith.constant 0 : i32
      %dma_wait3A_77 = tpu.memref_slice %arg6[%dma_wait3A_75, %dma_wait3A_76] : memref<200x128xf32, #tpu.memory_space<vmem>> -> memref<128x128xf32, #tpu.memory_space<vmem>>
      %dma_wait3A_78 = tpu.memref_slice %arg5[%add3A_31] : memref<25600xi32, #tpu.memory_space<vmem>> -> memref<128xi32, #tpu.memory_space<vmem>>
      %dma_wait3A_79 = arith.constant 0 : i32
      %dma_wait3A_80 = arith.constant 0 : i32
      %dma_wait3A_81 = tpu.memref_slice %arg2[%dma_wait3A_79, %dma_wait3A_80] : memref<1000000x128xf32, #tpu.memory_space<hbm>> -> memref<1000000x128xf32, #tpu.memory_space<hbm>>
      tpu.wait_indirect_dma semaphore(%arg10 : memref<!tpu.dma_semaphore, #tpu.memory_space<semaphore_mem>>) src(%dma_wait3A_81 : memref<1000000x128xf32, #tpu.memory_space<hbm>>) dst(%dma_wait3A_77 : memref<128x128xf32, #tpu.memory_space<vmem>>)
      %dma_wait3A_82 = arith.constant 128 : i32
      %dma_wait3A_83 = arith.constant 0 : i32
      %dma_wait3A_84 = tpu.memref_slice %arg6[%dma_wait3A_82, %dma_wait3A_83] : memref<200x128xf32, #tpu.memory_space<vmem>> -> memref<72x128xf32, #tpu.memory_space<vmem>>
      %dma_wait3A_85 = tpu.memref_slice %arg5[%add3A_39] : memref<25600xi32, #tpu.memory_space<vmem>> -> memref<72xi32, #tpu.memory_space<vmem>>
      %dma_wait3A_86 = arith.constant 0 : i32
      %dma_wait3A_87 = arith.constant 0 : i32
      %dma_wait3A_88 = tpu.memref_slice %arg2[%dma_wait3A_86, %dma_wait3A_87] : memref<1000000x128xf32, #tpu.memory_space<hbm>> -> memref<1000000x128xf32, #tpu.memory_space<hbm>>
      tpu.wait_indirect_dma semaphore(%arg10 : memref<!tpu.dma_semaphore, #tpu.memory_space<semaphore_mem>>) src(%dma_wait3A_88 : memref<1000000x128xf32, #tpu.memory_space<hbm>>) dst(%dma_wait3A_84 : memref<72x128xf32, #tpu.memory_space<vmem>>)
      %scan3A_89 = arith.constant 0 : i32
      %scan3A_90 = arith.constant 0 : i32
      %scan3A_91 = arith.constant 200 : i32
      %scan3A_92 = arith.addi %scan3A_90, %scan3A_91 : i32
      %scan3A_93 = arith.constant 1 : i32
      scf.for %scan3A_133 = %scan3A_90 to %scan3A_92 step %scan3A_93  : i32 {
        %get3A = arith.index_cast %scan3A_133 : i32 to index
        %get3A_134 = arith.constant 0 : index
        %get3A_135 = tpu.vector_load %arg6[%get3A, %get3A_134] {strides = array<i32>} : memref<200x128xf32, #tpu.memory_space<vmem>>, vector<1x16xf32>,
        %get3A_136 = vector.shape_cast %get3A_135 : vector<1x16xf32> to vector<16xf32>
        %swap3A = arith.constant 0 : i32
        %swap3A_137 = arith.index_cast %swap3A : i32 to index
        %swap3A_138 = arith.index_cast %scan3A_133 : i32 to index
        %swap3A_139 = arith.constant 0 : index
        %swap3A_140 = tpu.vector_load %arg8[%swap3A_137, %swap3A_138, %swap3A_139] {strides = array<i32>} : memref<1x200x64xf32, #tpu.memory_space<vmem>>, vector<1x1x16xf32>,
        %swap3A_141 = vector.shape_cast %swap3A_140 : vector<1x1x16xf32> to vector<16xf32>
        %swap3A_142 = vector.shape_cast %get3A_136 : vector<16xf32> to vector<1x1x16xf32>
        tpu.vector_store %arg8[%swap3A_137, %swap3A_138, %swap3A_139], %swap3A_142 {strides = array<i32>} : memref<1x200x64xf32, #tpu.memory_space<vmem>>, vector<1x1x16xf32>,
        %get3A_143 = arith.index_cast %scan3A_133 : i32 to index
        %get3A_144 = arith.constant 16 : index
        %get3A_145 = tpu.vector_load %arg6[%get3A_143, %get3A_144] {strides = array<i32>} : memref<200x128xf32, #tpu.memory_space<vmem>>, vector<1x16xf32>,
        %get3A_146 = vector.shape_cast %get3A_145 : vector<1x16xf32> to vector<16xf32>
        %swap3A_147 = arith.constant 0 : i32
        %swap3A_148 = arith.index_cast %swap3A_147 : i32 to index
        %swap3A_149 = arith.index_cast %scan3A_133 : i32 to index
        %swap3A_150 = arith.constant 16 : index
        %swap3A_151 = tpu.vector_load %arg8[%swap3A_148, %swap3A_149, %swap3A_150] {strides = array<i32>} : memref<1x200x64xf32, #tpu.memory_space<vmem>>, vector<1x1x16xf32>,
        %swap3A_152 = vector.shape_cast %swap3A_151 : vector<1x1x16xf32> to vector<16xf32>
        %swap3A_153 = vector.shape_cast %get3A_146 : vector<16xf32> to vector<1x1x16xf32>
        tpu.vector_store %arg8[%swap3A_148, %swap3A_149, %swap3A_150], %swap3A_153 {strides = array<i32>} : memref<1x200x64xf32, #tpu.memory_space<vmem>>, vector<1x1x16xf32>,
        %get3A_154 = arith.index_cast %scan3A_133 : i32 to index
        %get3A_155 = arith.constant 32 : index
        %get3A_156 = tpu.vector_load %arg6[%get3A_154, %get3A_155] {strides = array<i32>} : memref<200x128xf32, #tpu.memory_space<vmem>>, vector<1x16xf32>,
        %get3A_157 = vector.shape_cast %get3A_156 : vector<1x16xf32> to vector<16xf32>
        %swap3A_158 = arith.constant 0 : i32
        %swap3A_159 = arith.index_cast %swap3A_158 : i32 to index
        %swap3A_160 = arith.index_cast %scan3A_133 : i32 to index
        %swap3A_161 = arith.constant 32 : index
        %swap3A_162 = tpu.vector_load %arg8[%swap3A_159, %swap3A_160, %swap3A_161] {strides = array<i32>} : memref<1x200x64xf32, #tpu.memory_space<vmem>>, vector<1x1x16xf32>,
        %swap3A_163 = vector.shape_cast %swap3A_162 : vector<1x1x16xf32> to vector<16xf32>
        %swap3A_164 = vector.shape_cast %get3A_157 : vector<16xf32> to vector<1x1x16xf32>
        tpu.vector_store %arg8[%swap3A_159, %swap3A_160, %swap3A_161], %swap3A_164 {strides = array<i32>} : memref<1x200x64xf32, #tpu.memory_space<vmem>>, vector<1x1x16xf32>,
        %get3A_165 = arith.index_cast %scan3A_133 : i32 to index
        %get3A_166 = arith.constant 48 : index
        %get3A_167 = tpu.vector_load %arg6[%get3A_165, %get3A_166] {strides = array<i32>} : memref<200x128xf32, #tpu.memory_space<vmem>>, vector<1x16xf32>,
        %get3A_168 = vector.shape_cast %get3A_167 : vector<1x16xf32> to vector<16xf32>
        %swap3A_169 = arith.constant 0 : i32
        %swap3A_170 = arith.index_cast %swap3A_169 : i32 to index
        %swap3A_171 = arith.index_cast %scan3A_133 : i32 to index
        %swap3A_172 = arith.constant 48 : index
        %swap3A_173 = tpu.vector_load %arg8[%swap3A_170, %swap3A_171, %swap3A_172] {strides = array<i32>} : memref<1x200x64xf32, #tpu.memory_space<vmem>>, vector<1x1x16xf32>,
        %swap3A_174 = vector.shape_cast %swap3A_173 : vector<1x1x16xf32> to vector<16xf32>
        %swap3A_175 = vector.shape_cast %get3A_168 : vector<16xf32> to vector<1x1x16xf32>
        tpu.vector_store %arg8[%swap3A_170, %swap3A_171, %swap3A_172], %swap3A_175 {strides = array<i32>} : memref<1x200x64xf32, #tpu.memory_space<vmem>>, vector<1x1x16xf32>,
      }
      %scan3A_94 = arith.constant 200 : i32
      %add3A_95 = arith.addi %mul3A_4, %add3A_74 : i32
      %dma_start3A_96 = arith.constant 0 : i32
      %dma_start3A_97 = arith.constant 0 : i32
      %dma_start3A_98 = tpu.memref_slice %arg4[%add3A_95, %dma_start3A_96, %dma_start3A_97] : memref<4096x200x64xf32, #tpu.memory_space<hbm>> -> memref<1x200x64xf32, #tpu.memory_space<hbm>>
      %dma_start3A_99 = arith.constant 0 : i32
      %dma_start3A_100 = arith.constant 0 : i32
      %dma_start3A_101 = tpu.memref_slice %arg4[%add3A_95, %dma_start3A_99, %dma_start3A_100] : memref<4096x200x64xf32, #tpu.memory_space<hbm>> -> memref<1x200x64xf32, #tpu.memory_space<hbm>>
      tpu.enqueue_dma source(%arg8 : memref<1x200x64xf32, #tpu.memory_space<vmem>>) target(%dma_start3A_101 : memref<1x200x64xf32, #tpu.memory_space<hbm>>) target_semaphore(%arg12 : memref<!tpu.dma_semaphore, #tpu.memory_space<semaphore_mem>>)
      %mul3A_102 = arith.constant 2 : i32
      %mul3A_103 = arith.muli %scan3A_21, %mul3A_102 : i32
      %add3A_104 = arith.constant 1 : i32
      %add3A_105 = arith.addi %mul3A_103, %add3A_104 : i32
      %dma_wait3A_106 = arith.constant 0 : i32
      %dma_wait3A_107 = arith.constant 0 : i32
      %dma_wait3A_108 = tpu.memref_slice %arg7[%dma_wait3A_106, %dma_wait3A_107] : memref<200x128xf32, #tpu.memory_space<vmem>> -> memref<128x128xf32, #tpu.memory_space<vmem>>
      %dma_wait3A_109 = tpu.memref_slice %arg5[%add3A_54] : memref<25600xi32, #tpu.memory_space<vmem>> -> memref<128xi32, #tpu.memory_space<vmem>>
      %dma_wait3A_110 = arith.constant 0 : i32
      %dma_wait3A_111 = arith.constant 0 : i32
      %dma_wait3A_112 = tpu.memref_slice %arg2[%dma_wait3A_110, %dma_wait3A_111] : memref<1000000x128xf32, #tpu.memory_space<hbm>> -> memref<1000000x128xf32, #tpu.memory_space<hbm>>
      tpu.wait_indirect_dma semaphore(%arg11 : memref<!tpu.dma_semaphore, #tpu.memory_space<semaphore_mem>>) src(%dma_wait3A_112 : memref<1000000x128xf32, #tpu.memory_space<hbm>>) dst(%dma_wait3A_108 : memref<128x128xf32, #tpu.memory_space<vmem>>)
      %dma_wait3A_113 = arith.constant 128 : i32
      %dma_wait3A_114 = arith.constant 0 : i32
      %dma_wait3A_115 = tpu.memref_slice %arg7[%dma_wait3A_113, %dma_wait3A_114] : memref<200x128xf32, #tpu.memory_space<vmem>> -> memref<72x128xf32, #tpu.memory_space<vmem>>
      %dma_wait3A_116 = tpu.memref_slice %arg5[%add3A_63] : memref<25600xi32, #tpu.memory_space<vmem>> -> memref<72xi32, #tpu.memory_space<vmem>>
      %dma_wait3A_117 = arith.constant 0 : i32
      %dma_wait3A_118 = arith.constant 0 : i32
      %dma_wait3A_119 = tpu.memref_slice %arg2[%dma_wait3A_117, %dma_wait3A_118] : memref<1000000x128xf32, #tpu.memory_space<hbm>> -> memref<1000000x128xf32, #tpu.memory_space<hbm>>
      tpu.wait_indirect_dma semaphore(%arg11 : memref<!tpu.dma_semaphore, #tpu.memory_space<semaphore_mem>>) src(%dma_wait3A_119 : memref<1000000x128xf32, #tpu.memory_space<hbm>>) dst(%dma_wait3A_115 : memref<72x128xf32, #tpu.memory_space<vmem>>)
      %scan3A_120 = arith.constant 0 : i32
      %scan3A_121 = arith.constant 0 : i32
      %scan3A_122 = arith.constant 200 : i32
      %scan3A_123 = arith.addi %scan3A_121, %scan3A_122 : i32
      %scan3A_124 = arith.constant 1 : i32
      scf.for %scan3A_133 = %scan3A_121 to %scan3A_123 step %scan3A_124  : i32 {
        %get3A = arith.index_cast %scan3A_133 : i32 to index
        %get3A_134 = arith.constant 0 : index
        %get3A_135 = tpu.vector_load %arg7[%get3A, %get3A_134] {strides = array<i32>} : memref<200x128xf32, #tpu.memory_space<vmem>>, vector<1x16xf32>,
        %get3A_136 = vector.shape_cast %get3A_135 : vector<1x16xf32> to vector<16xf32>
        %swap3A = arith.constant 0 : i32
        %swap3A_137 = arith.index_cast %swap3A : i32 to index
        %swap3A_138 = arith.index_cast %scan3A_133 : i32 to index
        %swap3A_139 = arith.constant 0 : index
        %swap3A_140 = tpu.vector_load %arg9[%swap3A_137, %swap3A_138, %swap3A_139] {strides = array<i32>} : memref<1x200x64xf32, #tpu.memory_space<vmem>>, vector<1x1x16xf32>,
        %swap3A_141 = vector.shape_cast %swap3A_140 : vector<1x1x16xf32> to vector<16xf32>
        %swap3A_142 = vector.shape_cast %get3A_136 : vector<16xf32> to vector<1x1x16xf32>
        tpu.vector_store %arg9[%swap3A_137, %swap3A_138, %swap3A_139], %swap3A_142 {strides = array<i32>} : memref<1x200x64xf32, #tpu.memory_space<vmem>>, vector<1x1x16xf32>,
        %get3A_143 = arith.index_cast %scan3A_133 : i32 to index
        %get3A_144 = arith.constant 16 : index
        %get3A_145 = tpu.vector_load %arg7[%get3A_143, %get3A_144] {strides = array<i32>} : memref<200x128xf32, #tpu.memory_space<vmem>>, vector<1x16xf32>,
        %get3A_146 = vector.shape_cast %get3A_145 : vector<1x16xf32> to vector<16xf32>
        %swap3A_147 = arith.constant 0 : i32
        %swap3A_148 = arith.index_cast %swap3A_147 : i32 to index
        %swap3A_149 = arith.index_cast %scan3A_133 : i32 to index
        %swap3A_150 = arith.constant 16 : index
        %swap3A_151 = tpu.vector_load %arg9[%swap3A_148, %swap3A_149, %swap3A_150] {strides = array<i32>} : memref<1x200x64xf32, #tpu.memory_space<vmem>>, vector<1x1x16xf32>,
        %swap3A_152 = vector.shape_cast %swap3A_151 : vector<1x1x16xf32> to vector<16xf32>
        %swap3A_153 = vector.shape_cast %get3A_146 : vector<16xf32> to vector<1x1x16xf32>
        tpu.vector_store %arg9[%swap3A_148, %swap3A_149, %swap3A_150], %swap3A_153 {strides = array<i32>} : memref<1x200x64xf32, #tpu.memory_space<vmem>>, vector<1x1x16xf32>,
        %get3A_154 = arith.index_cast %scan3A_133 : i32 to index
        %get3A_155 = arith.constant 32 : index
        %get3A_156 = tpu.vector_load %arg7[%get3A_154, %get3A_155] {strides = array<i32>} : memref<200x128xf32, #tpu.memory_space<vmem>>, vector<1x16xf32>,
        %get3A_157 = vector.shape_cast %get3A_156 : vector<1x16xf32> to vector<16xf32>
        %swap3A_158 = arith.constant 0 : i32
        %swap3A_159 = arith.index_cast %swap3A_158 : i32 to index
        %swap3A_160 = arith.index_cast %scan3A_133 : i32 to index
        %swap3A_161 = arith.constant 32 : index
        %swap3A_162 = tpu.vector_load %arg9[%swap3A_159, %swap3A_160, %swap3A_161] {strides = array<i32>} : memref<1x200x64xf32, #tpu.memory_space<vmem>>, vector<1x1x16xf32>,
        %swap3A_163 = vector.shape_cast %swap3A_162 : vector<1x1x16xf32> to vector<16xf32>
        %swap3A_164 = vector.shape_cast %get3A_157 : vector<16xf32> to vector<1x1x16xf32>
        tpu.vector_store %arg9[%swap3A_159, %swap3A_160, %swap3A_161], %swap3A_164 {strides = array<i32>} : memref<1x200x64xf32, #tpu.memory_space<vmem>>, vector<1x1x16xf32>,
        %get3A_165 = arith.index_cast %scan3A_133 : i32 to index
        %get3A_166 = arith.constant 48 : index
        %get3A_167 = tpu.vector_load %arg7[%get3A_165, %get3A_166] {strides = array<i32>} : memref<200x128xf32, #tpu.memory_space<vmem>>, vector<1x16xf32>,
        %get3A_168 = vector.shape_cast %get3A_167 : vector<1x16xf32> to vector<16xf32>
        %swap3A_169 = arith.constant 0 : i32
        %swap3A_170 = arith.index_cast %swap3A_169 : i32 to index
        %swap3A_171 = arith.index_cast %scan3A_133 : i32 to index
        %swap3A_172 = arith.constant 48 : index
        %swap3A_173 = tpu.vector_load %arg9[%swap3A_170, %swap3A_171, %swap3A_172] {strides = array<i32>} : memref<1x200x64xf32, #tpu.memory_space<vmem>>, vector<1x1x16xf32>,
        %swap3A_174 = vector.shape_cast %swap3A_173 : vector<1x1x16xf32> to vector<16xf32>
        %swap3A_175 = vector.shape_cast %get3A_168 : vector<16xf32> to vector<1x1x16xf32>
        tpu.vector_store %arg9[%swap3A_170, %swap3A_171, %swap3A_172], %swap3A_175 {strides = array<i32>} : memref<1x200x64xf32, #tpu.memory_space<vmem>>, vector<1x1x16xf32>,
      }
      %scan3A_125 = arith.constant 200 : i32
      %add3A_126 = arith.addi %mul3A_4, %add3A_105 : i32
      %dma_start3A_127 = arith.constant 0 : i32
      %dma_start3A_128 = arith.constant 0 : i32
      %dma_start3A_129 = tpu.memref_slice %arg4[%add3A_126, %dma_start3A_127, %dma_start3A_128] : memref<4096x200x64xf32, #tpu.memory_space<hbm>> -> memref<1x200x64xf32, #tpu.memory_space<hbm>>
      %dma_start3A_130 = arith.constant 0 : i32
      %dma_start3A_131 = arith.constant 0 : i32
      %dma_start3A_132 = tpu.memref_slice %arg4[%add3A_126, %dma_start3A_130, %dma_start3A_131] : memref<4096x200x64xf32, #tpu.memory_space<hbm>> -> memref<1x200x64xf32, #tpu.memory_space<hbm>>
      tpu.enqueue_dma source(%arg9 : memref<1x200x64xf32, #tpu.memory_space<vmem>>) target(%dma_start3A_132 : memref<1x200x64xf32, #tpu.memory_space<hbm>>) target_semaphore(%arg13 : memref<!tpu.dma_semaphore, #tpu.memory_space<semaphore_mem>>)
    }
    %scan3A_9 = arith.constant 64 : i32
    %dma_wait3A = arith.constant 0 : i32
    %dma_wait3A_10 = arith.constant 0 : i32
    %dma_wait3A_11 = tpu.memref_slice %arg4[%mul3A_4, %dma_wait3A, %dma_wait3A_10] : memref<4096x200x64xf32, #tpu.memory_space<hbm>> -> memref<1x200x64xf32, #tpu.memory_space<hbm>>
    %dma_wait3A_12 = arith.constant 0 : i32
    %dma_wait3A_13 = arith.constant 0 : i32
    %dma_wait3A_14 = tpu.memref_slice %arg4[%mul3A_4, %dma_wait3A_12, %dma_wait3A_13] : memref<4096x200x64xf32, #tpu.memory_space<hbm>> -> memref<1x200x64xf32, #tpu.memory_space<hbm>>
    tpu.wait_dma2 semaphore(%arg12 : memref<!tpu.dma_semaphore, #tpu.memory_space<semaphore_mem>>) src(%arg8 : memref<1x200x64xf32, #tpu.memory_space<vmem>>) dst(%dma_wait3A_14 : memref<1x200x64xf32, #tpu.memory_space<hbm>>)
    %dma_wait3A_15 = arith.constant 0 : i32
    %dma_wait3A_16 = arith.constant 0 : i32
    %dma_wait3A_17 = tpu.memref_slice %arg4[%mul3A_4, %dma_wait3A_15, %dma_wait3A_16] : memref<4096x200x64xf32, #tpu.memory_space<hbm>> -> memref<1x200x64xf32, #tpu.memory_space<hbm>>
    %dma_wait3A_18 = arith.constant 0 : i32
    %dma_wait3A_19 = arith.constant 0 : i32
    %dma_wait3A_20 = tpu.memref_slice %arg4[%mul3A_4, %dma_wait3A_18, %dma_wait3A_19] : memref<4096x200x64xf32, #tpu.memory_space<hbm>> -> memref<1x200x64xf32, #tpu.memory_space<hbm>>
    tpu.wait_dma2 semaphore(%arg13 : memref<!tpu.dma_semaphore, #tpu.memory_space<semaphore_mem>>) src(%arg9 : memref<1x200x64xf32, #tpu.memory_space<vmem>>) dst(%dma_wait3A_20 : memref<1x200x64xf32, #tpu.memory_space<hbm>>)
    return
  }
}

</mosaic_0001>

<sc_bundles>
// kernel: kernel.3.cloned.1.call-start
scs
__scs_entry_jumppad:
0x0: {  	(pc) =	sbr.rel $0x88, $3  }
0x1: {  	(tag) =	ssettag $0x0;
	lr =	simm.s32 $0x1  }
0x2: {  	[smem:$0x3F9F] =	sst lr;
	_ =	strace $0xD0000000  }
0x3: {  	_ = 	snop  }
0x4: {  	_ = 	snop  }
0x5: {  	_ = 	snop  }
0x6: {  	_ = 	snop  }
0x7: {  	_ = 	snop  }
__scs_overlays_trampoline_lowered:
0x8: {  	[smem:$0x3FAE] =	sst s0  }
0x9: {  	[smem:$0x3FAF] =	sst s1  }
0xa: {  	[smem:$0x3FB0] =	sst s2  }
0xb: {  	[smem:$0x3FB1] =	sst s3  }
0xc: {  	[smem:$0x3FB2] =	sst s4  }
0xd: {  	[smem:$0x3FB3] =	sst s5  }
0xe: {  	[smem:$0x3FB4] =	sst s6  }
0xf: {  	[smem:$0x3FB5] =	sst s7  }
0x10: {  	[smem:$0x3FB6] =	sst s8  }
0x11: {  	[smem:$0x3FB7] =	sst s9;
	s0 =	simm.s32 @!p0 $0x0  }
0x12: {  	s1 =	sld [smem:$0x3F9D];
	s0 =	simm.s32 @p0 $0x1  }
0x13: {  	[smem:$0x3FB8] =	sst s0;
	s0 =	simm.s32 @!p1 $0x0  }
0x14: {  	s2 =	sld [smem:$0x3F9C];
	s0 =	simm.s32 @p1 $0x1  }
0x15: {  	[smem:$0x3FB9] =	sst s0;
	s0 =	simm.s32 @!p2 $0x0  }
0x16: {  	s3 =	sld [smem:$0x3FDB];
	s0 =	simm.s32 @p2 $0x1  }
0x17: {  	s4 =	simm.s32 $0x1BF5;
	[smem:$0x3FBB] =	sst s0  }
0x18: {  	s0 =	sld [smem:$0x3F9E];
	_ =	swait.ge [sflag:s4], $0x0  }
0x19: {  	s7 =	sld [smem:$0x3F9F]  }
0x1a: {  	s8 =	sadd.s32 $0xFFFFE003, lr  }
0x1b: {  	s9 =	sadd.s32 $0xFFFFFEF7, lr;
	s5 =	simm.s32 $0xFFFFFFFF;
	p2 =	slt.u32 s8, $0xFFFFF086  }
0x1c: {  	p1 =	slt.u32 s9, $0xF7A;
	s5 =	simm.s32 @!p2 $0x0  }
0x1d: {  	s5 =	simm.s32 @p1 $0x1;
	p0 =	seq.s32 s7, s2  }
0x1e: {  	s7 =	smul.u32 @!p0 $0xF7A, s2;
	p2 =	seq.s32 @!p0 s5, $0x0  }
0x1f: {  	s9 =	smul.u32 $0xF7A, s1;
	s8 =	simm.s32 @!p0 $0x1BF5;
	p2 =	por !p2, p0  }
0x20: {  	[sflag:s8] =	ssyncset.s32 @!p0 $0xFFFFF086;
	s6 =	sadd.s32 @!p0 s3, s7;
	s7 =	simm.s32 @!p0 $0x108  }
0x21: {  	s3 =	sadd.s32 s3, s9;
	s6 =	sadd.s32 @!p0 $0x88, s6;
	s7 =	simm.s32 @p2 $0x1082  }
0x22: {  	[simem:s7], [sflag:s8] =	dma.local @!p0 [hbm:s6], $0xF7A  }
0x23: {  	s9 =	sor.u32 $0xD0000000, s2;
	s6 =	simm.s32 $0x108;
	_ =	swait.ge @!p0 [sflag:s8], $0x0  }
0x24: {  	s3 =	sadd.s32 $0x88, s3;
	s6 =	simm.s32 @!p1 $0x1082;
	[sflag:s4] =	ssyncset.s32 $0xFFFFF086  }
0x25: {  	[simem:s6], [sflag:s4] =	dma.local [hbm:s3], $0xF7A  }
0x26: {  	[smem:$0x3F9F] =	sst s1;
	(tag) =	ssettag s2;
	_ =	strace s9  }
0x27: {  	s1 =	sld [smem:$0x3FAF]  }
0x28: {  	s2 =	sld [smem:$0x3FB0]  }
0x29: {  	s4 =	sld [smem:$0x3FB2]  }
0x2a: {  	p0 =	seq.s32 s5, $0x0;
	s5 =	sld [smem:$0x3FB3]  }
0x2b: {  	s6 =	sld [smem:$0x3FB4]  }
0x2c: {  	s7 =	sld [smem:$0x3FB5]  }
0x2d: {  	s3 =	simm.s32 $0x108;
	s8 =	sld [smem:$0x3FB6]  }
0x2e: {  	s3 =	simm.s32 @!p0 $0x1082;
	s9 =	sld [smem:$0x3FB7]  }
0x2f: {  	lr =	sadd.s32 s0, s3;
	s0 =	sld [smem:$0x3FAE]  }
0x30: {  	s3 =	sld [smem:$0x3FB1]  }
0x31: {  	[smem:$0x3FBA] =	sst s10  }
0x32: {  	s10 =	sld [smem:$0x3FB8];
	_ =	sdelay $0x3  }
0x33: {  	p0 =	seq.s32 s10, $0x1;
	s10 =	sld [smem:$0x3FBA];
	_ =	sdelay $0x3  }
0x34: {  	[smem:$0x3FBA] =	sst s10  }
0x35: {  	s10 =	sld [smem:$0x3FB9];
	_ =	sdelay $0x3  }
0x36: {  	p1 =	seq.s32 s10, $0x1;
	s10 =	sld [smem:$0x3FBA];
	_ =	sdelay $0x3  }
0x37: {  	[smem:$0x3FBA] =	sst s10  }
0x38: {  	s10 =	sld [smem:$0x3FBB]  }
0x39: {  	_ = 	snop;
	(pc) =	sbr.ind lr, $3  }
0x3a: {  	_ = 	snop  }
0x3b: {  	_ = 	snop  }
0x3c: {  	p2 =	seq.s32 s10, $0x1;
	s10 =	sld [smem:$0x3FBA]  }
0x3d: {  	_ =	shalt  }
0x3e: {  	_ =	shalt  }
0x3f: {  	_ =	shalt  }
0x40: {  	_ =	shalt  }
0x41: {  	_ =	shalt  }
0x42: {  	_ =	shalt  }
0x43: {  	_ =	shalt  }
0x44: {  	_ =	shalt  }
0x45: {  	_ =	shalt  }
0x46: {  	_ =	shalt  }
0x47: {  	_ =	shalt  }
0x48: {  	_ =	shalt  }
0x49: {  	_ =	shalt  }
0x4a: {  	_ =	shalt  }
0x4b: {  	_ =	shalt  }
0x4c: {  	_ =	shalt  }
0x4d: {  	_ =	shalt  }
0x4e: {  	_ =	shalt  }
0x4f: {  	_ =	shalt  }
0x50: {  	_ =	shalt  }
0x51: {  	_ =	shalt  }
0x52: {  	_ =	shalt  }
0x53: {  	_ =	shalt  }
0x54: {  	_ =	shalt  }
0x55: {  	_ =	shalt  }
0x56: {  	_ =	shalt  }
0x57: {  	_ =	shalt  }
0x58: {  	_ =	shalt  }
0x59: {  	_ =	shalt  }
0x5a: {  	_ =	shalt  }
0x5b: {  	_ =	shalt  }
0x5c: {  	_ =	shalt  }
0x5d: {  	_ =	shalt  }
0x5e: {  	_ =	shalt  }
0x5f: {  	_ =	shalt  }
0x60: {  	_ =	shalt  }
0x61: {  	_ =	shalt  }
0x62: {  	_ =	shalt  }
0x63: {  	_ =	shalt  }
0x64: {  	_ =	shalt  }
0x65: {  	_ =	shalt  }
0x66: {  	_ =	shalt  }
0x67: {  	_ =	shalt  }
0x68: {  	_ =	shalt  }
0x69: {  	_ =	shalt  }
0x6a: {  	_ =	shalt  }
0x6b: {  	_ =	shalt  }
0x6c: {  	_ =	shalt  }
0x6d: {  	_ =	shalt  }
0x6e: {  	_ =	shalt  }
0x6f: {  	_ =	shalt  }
0x70: {  	_ =	shalt  }
0x71: {  	_ =	shalt  }
0x72: {  	_ =	shalt  }
0x73: {  	_ =	shalt  }
0x74: {  	_ =	shalt  }
0x75: {  	_ =	shalt  }
0x76: {  	_ =	shalt  }
0x77: {  	_ =	shalt  }
0x78: {  	_ =	shalt  }
0x79: {  	_ =	shalt  }
0x7a: {  	_ =	shalt  }
0x7b: {  	_ =	shalt  }
0x7c: {  	_ =	shalt  }
0x7d: {  	_ =	shalt  }
0x7e: {  	_ =	shalt  }
0x7f: {  	_ =	shalt  }
0x80: {  	_ =	shalt  }
0x81: {  	_ =	shalt  }
0x82: {  	_ =	shalt  }
0x83: {  	_ =	shalt  }
0x84: {  	_ =	shalt  }
0x85: {  	_ =	shalt  }
0x86: {  	_ =	shalt  }
0x87: {  	_ =	shalt  }
.Lfunc_end0:
.L_simem_size_0:
called_computation_lowered:
.L_overlay_start_0:
0x88: {  	s2 =	sld [smem:$0x3FD9]  }
0x89: {  	s3 =	sld [smem:$0x3FFE];
	_ =	sdelay $0x1  }
0x8a: {  	s1 =	srdreg.scid  }
0x8b: {  	s0 =	sand.u32 $0x1, s1  }
0x8c: {  	s17 =	sshll.u32 s0, $0xA;
	s2 =	sadd.s32 s3, s2  }
0x8d: {  	s2 =	sadd.s32 s2, s17  }
0x8e: {  	[smem:$0x3FC6] =	sst s2  }
0x8f: {  	_ = 	snop  }
0x90: {  	s2 =	sld [smem:$0x3FD0];
	(tm) =	ssettm $0x1  }
0x91: {  	s18 =	sld [smem:$0x3FFB];
	_ =	sdelay $0x3  }
0x92: {  	_ =	strace s18  }
0x93: {  	s3 =	sld [smem:$0x3FFC];
	_ =	sdelay $0x3  }
0x94: {  	_ =	strace s3  }
0x95: {  	s3 =	sld [smem:$0x3FFD];
	_ =	sdelay $0x3  }
0x96: {  	_ =	strace s3  }
0x97: {  	_ =	strace $0x8FFFFFFF  }
0x98: {  	s19 =	sld [smem:$0x3FDB];
	_ =	sdelay $0x1  }
0x99: {  	s4 =	simm.s32 $_scs_section_size  }
0x9a: {  	s5 =	simm.s32 $_size__tile_overlayer_lowered;
	s6 =	simm.s32 $_tile_overlayer_lowered  }
0x9b: {  	s22 =	simm.s32 $0x1BFF;
	s21 =	sshll.u32 s6, $0x1;
	s3 =	sadd.s32 s4, s19  }
0x9c: {  	s7 =	simm.s32 $0x0;
	s20 =	sshll.u32 s5, $0x1;
	s5 =	sadd.s32 s21, s3  }
0x9d: {  	[timem:s7], [sflag:s22] =	dma.local [hbm:s5], s20  }
0x9e: {  	_ =	swait.ge [sflag:s22], s20  }
0x9f: {  	s4 =	ssub.s32 $0x0, s20;
	[sflag:s22] =	ssyncset.done $0x0  }
0xa0: {  	[sflag:s22] =	ssyncadd.s32 s4;
	_ =	sdelay $0x1  }
0xa1: {  	s23 =	simm.s32 $0x1B8B  }
0xa2: {  	_ =	swait.ge [sflag:s23], $0x1  }
0xa3: {  	[sflag:s23] =	ssyncset.done $0x0  }
0xa4: {  	s25 =	simm.s32 $0x1B8E;
	s24 =	sld [smem:$0x3FFE];
	[sflag:s23] =	ssyncadd.s32 $0xFFFFFFFF  }
0xa5: {  	s26 =	simm.s32 $execute0_lowered;
	[smem:$0x3FD2] =	sst s25  }
0xa6: {  	s5 =	sshll.u32 s26, $0x1;
	_ =	strace $0x80000046;
	[dreg:$0x1] =	wrdreg $0xFFFFFFFF  }
0xa7: {  	s28 =	simm.s32 $_size_execute0_lowered;
	s3 =	sadd.s32 s3, s5;
	[dreg:$0x0] =	wrdreg $0x0  }
0xa8: {  	s5 =	sshll.u32 s28, $0x1;
	[dreg:$0x2] =	wrdreg s3  }
0xa9: {  	[dreg:$0x3] =	wrdreg s5  }
0xaa: {  	[dreg:$0x4] =	wrdreg $0xC0  }
0xab: {  	_ =	task [dreg:s7], $0x5FFFF  }
0xac: {  	[dreg:$0x1] =	wrdreg $0xFFFFFFFF  }
0xad: {  	[dreg:$0x0] =	wrdreg $0x60  }
0xae: {  	[dreg:$0x2] =	wrdreg s24  }
0xaf: {  	[dreg:$0x3] =	wrdreg s2  }
0xb0: {  	[dreg:$0x4] =	wrdreg $0x9  }
0xb1: {  	_ =	task.clear_ibuf [dreg:s7], $0x5FFFF;
	_ =	strace $0x90000046  }
0xb2: {  	s29 =	simm.s32 $0x9;
	_ =	strace $0x80000048  }
0xb3: {  	_ =	swait.ge [sflag:s29], $0x1  }
0xb4: {  	[sflag:s29] =	ssyncadd.s32 $0xFFFFFFFF  }
0xb5: {  	_ =	strace $0x90000048  }
0xb6: {  	_ =	sfence  }
0xb7: {  	s30 =	sld [smem:$0x0];
	_ =	sdelay $0x2  }
0xb8: {  	s31 =	sshll.u32 s1, $0xD;
	s1 =	sshrl.u32 s1, $0x2  }
0xb9: {  	s3 =	sand.u32 $0x4000, s31;
	s1 =	sadd.s32 s1, s30  }
0xba: {  	s0 =	sor.u32 s3, s0;
	s1 =	sshll.u32 s1, $0x11  }
0xbb: {  	s0 =	sor.u32 s1, s0  }
0xbc: {  	s0 =	sadd.s32 $0x8F2B, s0  }
0xbd: {  	[sflag:s0] =	ssyncadd.remote.s32 $0x1  }
0xbe: {  	_ =	sfence.sel $0xFFFF  }
0xbf: {  	[dreg:$0x0] =	wrdreg $0xFFFFFFFF;
	(pc) =	sbr.abs _section_cstart, $3  }
0xc0: {  	[dreg:$0x1] =	wrdreg $0xFFFFFFFF  }
0xc1: {  	_ =	task.clear_ibuf [dreg:s7], $0x2FFFF;
	_ =	strace $0x9FFFFFFF  }
0xc2: {  	(tm) =	ssettm $0x7FFFFFFF  }
0xc3: {  	_ =	shalt  }
tec
execute0_lowered:
.L_overlay_start_1:
0x0: {  	(tag) =	ssettag $0x1  }
0x1: {  	s4 =	rddreg [dreg:$0x0]  }
0x2: {  	s6 =	rddreg [dreg:$0x1]  }
0x3: {  	s0 =	rddreg [dreg:$0x2];
	s3 =	srdreg.scid  }
0x4: {  	s1 =	stileid.u32;
	s2 =	simm.s32 $0x0;
	s10 =	simm.s32 $0x6400  }
0x5: {  	s11 =	simm.s32 $0x48;
	s12 =	simm.s32 $0xA400;
	s13 =	simm.s32 $0xC800  }
0x6: {  	s14 =	simm.s32 $0x10800;
	s15 =	simm.s32 $0x1;
	s16 =	simm.s32 $0x12C00  }
0x7: {  	s17 =	simm.s32 $0x2;
	s18 =	simm.s32 $0x19000;
	s19 =	simm.s32 $0x3  }
0x8: {  	s20 =	simm.s32 $0x4;
	s3 =	sand.u32 $0x1, s3;
	s5 =	sshll.u32 s1, $0x1  }
0x9: {  	s21 =	simm.s32 $0x0;
	[smem:$0x7FF] =	sst s2;
	s5 =	sor.u32 s3, s5  }
0xa: {  	_ =	strace $0x80000047;
	s7 =	ssub.s32 $0x2, s3;
	s3 =	sadd.s32 $0xF42A00, s4  }
0xb: {  	s4 =	sadd.s32 $0x600, s4;
	s8 =	smul.u32 $0xC80, s5;
	s9 =	sshrl.u32 s7, $0x1  }
0xc: {  	s5 =	sshll.u32 s5, $0x7;
	s7 =	ssub.s32 s7, s9;
	s9 =	simm.s32 $0x80  }
0xd: {  	s6 =	sadd.s32 s6, s8;
	s7 =	smax.u32 s7, $0x1;
	s8 =	simm.s32 $0x5  }
.LBB2_1:
0xe: {  	[tilespmem:s2], [sflag:$0x5] =	stream.linear.gather [hbm4b:s6+s2], $0x6400, $0x38;
	[tilespmem:$0x1F400] =	vst v63  }
0xf: {  	_ =	swait.ge [sflag:s8], $0x6400  }
0x10: {  	[sflag:s8] =	ssyncset.done $0x0  }
0x11: {  	s22 =	simm.s32 $0x0;
	[sflag:s8] =	ssyncadd.s32 $0xFFFF9C00  }
.LBB2_2:
0x12: {  	p0 =	seq.s32 s22, $0x0  }
0x13: {  	s23 =	simm.s32 @!p0 $0x3  }
0x14: {  	_ =	swait.ge @!p0 [sflag:s23], $0x6400  }
0x15: {  	[sflag:s23] =	ssyncset.done @!p0 $0x0  }
0x16: {  	[sflag:s23] =	ssyncadd.s32 @!p0 $0xFFFF9C00;
	s23 =	simm.s32 @!p0 $0x4  }
0x17: {  	s24 =	smul.u32 $0x640, s22;
	_ =	swait.ge @!p0 [sflag:s23], $0x6400  }
0x18: {  	[sflag:s23] =	ssyncset.done @!p0 $0x0  }
0x19: {  	s24 =	sshra.s32 s24, $0x2;
	[sflag:s23] =	ssyncadd.s32 @!p0 $0xFFFF9C00;
	s23 =	sshllo.u32 s22, $0x1  }
0x1a: {  	[tilespmem:s10], [sflag:$0x1] =	stream.indirect.gather [hbm4b:s3+s9], $0x80, s24, s9, $0xb8;
	[tilespmem:$0x1F400] =	vst v63  }
0x1b: {  	s24 =	sadd.s32 $0x80, s24;
	s25 =	smul.u32 $0x320, s23  }
0x1c: {  	[tilespmem:s12], [sflag:$0x1] =	stream.indirect.gather [hbm4b:s3+s11], $0x80, s24, s11, $0xb8;
	[tilespmem:$0x1F400] =	vst v63  }
0x1d: {  	s31 =	sshra.s32 s25, $0x2  }
0x1e: {  	[tilespmem:s13], [sflag:$0x2] =	stream.indirect.gather [hbm4b:s3+s9], $0x80, s31, s9, $0xb8;
	[tilespmem:$0x1F400] =	vst v63  }
0x1f: {  	s24 =	sadd.s32 $0x80, s31  }
0x20: {  	[tilespmem:s14], [sflag:$0x2] =	stream.indirect.gather [hbm4b:s3+s11], $0x80, s24, s11, $0xb8;
	[tilespmem:$0x1F400] =	vst v63  }
0x21: {  	_ =	swait.ge [sflag:s15], $0x4000  }
0x22: {  	[sflag:s15] =	ssyncset.done $0x0  }
0x23: {  	[sflag:s15] =	ssyncadd.s32 $0xFFFFC000  }
0x24: {  	_ =	swait.ge [sflag:s15], $0x2400  }
0x25: {  	[sflag:s15] =	ssyncset.done $0x0  }
0x26: {  	s24 =	simm.s32 $0x0;
	[sflag:s15] =	ssyncadd.s32 $0xFFFFDC00  }
0x27: {  	v2 =	vld [tilespmem:s24+$0x6430]  }
0x28: {  	v1 =	vld [tilespmem:s24+$0x6400]  }
0x29: {  	v0 =	vld [tilespmem:s24+$0x6410]  }
0x2a: {  	s26 =	simm.s32 $0x200;
	s25 =	sshll.u32 s22, $0x1;
	v3 =	vld [tilespmem:s24+$0x6420]  }
.LBB2_3:
0x2b: {  	p0 =	sne.s32 s26, $0x18E00  }
.Ltmp0:
0x2c: {  	s28 =	sshra.s32 s26, $0x2;
	s26 =	sadd.s32 $0x200, s26;
	[tilespmem:s24+$0x12C30] =	vst v2;
	(pc) =	sbr.rel @p0 .LBB2_3-.Ltmp0, $4  }
0x2d: {  	v2 =	vld [tilespmem:s28+$0x6430];
	[tilespmem:s24+$0x12C00] =	vst v1  }
0x2e: {  	v1 =	vld [tilespmem:s28+$0x6400];
	[tilespmem:s24+$0x12C10] =	vst v0  }
0x2f: {  	v0 =	vld [tilespmem:s28+$0x6410];
	[tilespmem:s24+$0x12C20] =	vst v3;
	s24 =	smov.u32 s28  }
0x30: {  	v3 =	vld [tilespmem:s24+$0x6420]  }
0x31: {  	_ = 	snop  }
0x32: {  	s25 =	sadd.s32 s5, s25;
	[tilespmem:s24+$0x12C30] =	vst v2  }
0x33: {  	s25 =	smul.u32 $0xC80, s25;
	[tilespmem:s24+$0x12C00] =	vst v1  }
0x34: {  	[tilespmem:s24+$0x12C10] =	vst v0  }
0x35: {  	s31 =	simm.s32 $0x0;
	s30 =	sadd.s32 s4, s25;
	[tilespmem:s24+$0x12C20] =	vst v3  }
0x36: {  	[hbm4b:s30+s31] =	stream.linear.scatter [tilespmem:s16], [sflag:$0x3], $0x6400, $0x38;
	[tilespmem:$0x1F400] =	vst v63  }
0x37: {  	_ =	swait.ge [sflag:s17], $0x4000  }
0x38: {  	[sflag:s17] =	ssyncset.done $0x0  }
0x39: {  	[sflag:s17] =	ssyncadd.s32 $0xFFFFC000  }
0x3a: {  	_ =	swait.ge [sflag:s17], $0x2400  }
0x3b: {  	[sflag:s17] =	ssyncset.done $0x0  }
0x3c: {  	s24 =	simm.s32 $0x0;
	[sflag:s17] =	ssyncadd.s32 $0xFFFFDC00  }
0x3d: {  	v2 =	vld [tilespmem:s24+$0xC830]  }
0x3e: {  	v1 =	vld [tilespmem:s24+$0xC800]  }
0x3f: {  	v0 =	vld [tilespmem:s24+$0xC810]  }
0x40: {  	s25 =	simm.s32 $0x200;
	v3 =	vld [tilespmem:s24+$0xC820]  }
.LBB2_5:
0x41: {  	p0 =	sne.s32 s25, $0x18E00  }
.Ltmp1:
0x42: {  	s26 =	sshra.s32 s25, $0x2;
	s25 =	sadd.s32 $0x200, s25;
	[tilespmem:s24+$0x19030] =	vst v2;
	(pc) =	sbr.rel @p0 .LBB2_5-.Ltmp1, $4  }
0x43: {  	v2 =	vld [tilespmem:s26+$0xC830];
	[tilespmem:s24+$0x19000] =	vst v1  }
0x44: {  	v1 =	vld [tilespmem:s26+$0xC800];
	[tilespmem:s24+$0x19010] =	vst v0  }
0x45: {  	v0 =	vld [tilespmem:s26+$0xC810];
	[tilespmem:s24+$0x19020] =	vst v3;
	s24 =	smov.u32 s26  }
0x46: {  	v3 =	vld [tilespmem:s24+$0xC820]  }
0x47: {  	s22 =	sadd.s32 $0x1, s22  }
0x48: {  	p0 =	sne.s32 s22, $0x40  }
.Ltmp2:
0x49: {  	s23 =	sadd.s32 s5, s23;
	[tilespmem:s24+$0x19030] =	vst v2;
	(pc) =	sbr.rel @p0 .LBB2_2-.Ltmp2, $4  }
0x4a: {  	s23 =	smul.u32 $0xC80, s23;
	[tilespmem:s24+$0x19000] =	vst v1  }
0x4b: {  	[tilespmem:s24+$0x19010] =	vst v0  }
0x4c: {  	s23 =	sadd.s32 s4, s23;
	[tilespmem:s24+$0x19020] =	vst v3  }
0x4d: {  	[hbm4b:s23+s2] =	stream.linear.scatter [tilespmem:s18], [sflag:$0x4], $0x6400, $0x38;
	[tilespmem:$0x1F400] =	vst v63  }
0x4e: {  	s21 =	sadd.s32 $0x1, s21  }
0x4f: {  	_ =	swait.ge [sflag:s19], $0x6400;
	p0 =	sne.s32 s21, s7  }
.Ltmp3:
0x50: {  	[sflag:s19] =	ssyncset.done $0x0;
	(pc) =	sbr.rel @p0 .LBB2_1-.Ltmp3, $4  }
0x51: {  	[sflag:s19] =	ssyncadd.s32 $0xFFFF9C00  }
0x52: {  	_ =	swait.ge [sflag:s20], $0x6400  }
0x53: {  	[sflag:s20] =	ssyncset.done $0x0  }
0x54: {  	[sflag:s20] =	ssyncadd.s32 $0xFFFF9C00  }
0x55: {  	_ =	sfence.sel $0x180000  }
0x56: {  	[bflag:$0x0] =	sbarrier.arrive $0xFFFF  }
0x57: {  	p0 =	sne.s32 s1, $0x0;
	_ =	strace $0x90000047  }
0x58: {  	s0 =	sadd.s32 @!p0 $0x100000, s0;
	[bflag:$0x2] =	sbarrier.arrive $0xFFFF  }
0x59: {  	[sflag:s0] =	ssyncadd.tile.s32 @!p0 $0x1;
	_ =	shalt  }
.Lfunc_end2:
_tile_overlayer_lowered:
.L_overlay_start_2:
0x5a: {  	(tag) =	ssettag $0x2  }
0x5b: {  	s0 =	rddreg [dreg:$0x0];
	s2 =	stileid.u32  }
0x5c: {  	s1 =	rddreg [dreg:$0x1];
	p0 =	sne.s32 s2, $0x0  }
0x5d: {  	s3 =	rddreg [dreg:$0x2];
	[bflag:$0x3] =	sbarrier.arrive $0xFFFF;
	s2 =	simm.s32 @!p0 $0x1C05  }
0x5e: {  	[timem:s3], [sflag:s2] =	dma.local @!p0 [hbm:s0], s1  }
0x5f: {  	s0 =	simm.s32 @!p0 $0x5  }
0x60: {  	_ =	swait.ge @!p0 [sflag:s0], s1  }
0x61: {  	s1 =	ssub.s32 @!p0 $0x0, s1;
	[sflag:s0] =	ssyncset.done @!p0 $0x0  }
0x62: {  	[sflag:s0] =	ssyncadd.s32 @!p0 s1  }
0x63: {  	[bflag:$0x3] =	sbarrier.arrive $0xFFFF  }
0x64: {  	_ =	shalt  }

</sc_bundles>
